<compile_context>
chip_gen: v7x
topology: tpu7x:2x2x1
jax: 0.10.2.dev20260603
libtpu: 0.0.44.dev20260713+nightly
codegen_flags: <defaults>
</compile_context>

<pallas_src>
import functools

import jax
import jax.numpy as jnp
from jax import lax
from jax.experimental import pallas as pl
from jax.experimental.pallas import tpu as pltpu
from jax.experimental.pallas import tpu_sc as plsc

C = 192
R = 512
W = 512
B = C * R
NC = 2
NS = 16
NW = NC * NS
BPW = B // NW
CHUNK = 96
NCHUNKS = BPW // CHUNK

_MESH = plsc.VectorSubcoreMesh(core_axis_name="c", subcore_axis_name="s")


@functools.partial(
    pl.kernel,
    out_type=jax.ShapeDtypeStruct((B, W), jnp.float32),
    mesh=_MESH,
    scratch_types=[
        pltpu.VMEM((BPW,), jnp.int32),
        pltpu.VMEM((CHUNK, W), jnp.float32),
        pltpu.VMEM((CHUNK, W), jnp.float32),
        pltpu.SemaphoreType.DMA,
        pltpu.SemaphoreType.DMA,
        pltpu.SemaphoreType.DMA,
        pltpu.SemaphoreType.DMA,
    ],
)
def _sc_row_gather(img_hbm, idx_hbm, out_hbm, idx_v, buf0, buf1,
                   gsem0, gsem1, ssem0, ssem1):
    wid = lax.axis_index("s") * NC + lax.axis_index("c")
    base = wid * BPW

    pltpu.sync_copy(idx_hbm.at[pl.ds(base, BPW)], idx_v)

    bufs = (buf0, buf1)
    gsems = (gsem0, gsem1)
    ssems = (ssem0, ssem1)

    def gather_copy(c, b):
        off = pl.multiple_of(c * CHUNK, CHUNK)
        return pltpu.make_async_copy(img_hbm.at[idx_v.at[pl.ds(off, CHUNK)]],
                                     bufs[b], gsems[b])

    def scatter_copy(c, b):
        row0 = base + pl.multiple_of(c * CHUNK, CHUNK)
        return pltpu.make_async_copy(bufs[b], out_hbm.at[pl.ds(row0, CHUNK)],
                                     ssems[b])

    gather_copy(0, 0).start()
    gather_copy(1, 1).start()

    @pl.loop(0, NCHUNKS // 2)
    def _pair(i):
        for b in range(2):
            c = i * 2 + b
            gather_copy(c, b).wait()
            sc = scatter_copy(c, b)
            sc.start()
            sc.wait()

            @pl.when(c + 2 < NCHUNKS)
            def _():
                gather_copy(c + 2, b).start()


def kernel(img):
    rows = img.shape[1]
    src = jnp.arange(0, rows)
    noise = jax.random.normal(jax.random.key(42), (rows,), dtype=jnp.float32)
    dst = jnp.clip(jnp.round(noise + src.astype(jnp.float32)),
                   0, rows - 1).astype(jnp.int32)
    idx_flat = (jnp.arange(C, dtype=jnp.int32)[:, None] * R
                + dst[None, :]).reshape(B)
    out_flat = _sc_row_gather(img.reshape(B, W), idx_flat)
    return out_flat.reshape(C, R, W)

# --- scband reference (transcript-rebuilt; emitter-appended) ---
"""Pipeline reference for scband-rolling-shutter-34746285425288 (READ-ONLY COPY).

The authoritative reference and input builder live on the scoring server;
editing this copy changes nothing except your own understanding.
"""

import jax, jax.numpy as jnp
import numpy as np

STD = 1.0

def setup_inputs(seed: int = 0) -> dict:
    key = jax.random.key(seed)
    img = jax.random.normal(key, (192, 512, 512), dtype=jnp.float32)
    return {"img": img}

def reference(img):
    rows = img.shape[1]
    src = jnp.arange(0, rows)
    # torch.randn(rows) equivalent: fixed-key normal noise (randomness is internal to the module)
    noise = jax.random.normal(jax.random.key(42), (rows,), dtype=jnp.float32)
    dst = jnp.clip(jnp.round(noise * STD + src.astype(jnp.float32)), 0, rows - 1).astype(jnp.int32)
    # torch semantics: RHS gather img[:, dst, :] is materialized first, then scattered into rows `src`.
    gathered = jnp.take(img, dst, axis=1)
    out = img.at[:, src, :].set(gathered)
    return out

if __name__ == "__main__":
    import jax
    _d = setup_inputs()
    print(jax.jit(kernel)(*tuple(_d.values())))

</pallas_src>

<mosaic_0001>
#map = affine_map<(d0, d1) -> (0, 0)>
#map1 = affine_map<(d0, d1) -> (0)>
module attributes {stable_mosaic.version = 14 : i64} {
  func.func @_sc_row_gather(%arg0: i32, %arg1: i32, %arg2: memref<98304x512xf32, #tpu.memory_space<hbm>>, %arg3: memref<98304xi32, #tpu.memory_space<hbm>>, %arg4: memref<98304x512xf32, #tpu.memory_space<hbm>>, %arg5: memref<3072xi32, #tpu.memory_space<vmem>>, %arg6: memref<96x512xf32, #tpu.memory_space<vmem>>, %arg7: memref<96x512xf32, #tpu.memory_space<vmem>>, %arg8: memref<!tpu.dma_semaphore, #tpu.memory_space<semaphore_mem>>, %arg9: memref<!tpu.dma_semaphore, #tpu.memory_space<semaphore_mem>>, %arg10: memref<!tpu.dma_semaphore, #tpu.memory_space<semaphore_mem>>, %arg11: memref<!tpu.dma_semaphore, #tpu.memory_space<semaphore_mem>>) attributes {dimension_semantics = [#tpu.dimension_semantics<core_parallel>, #tpu.dimension_semantics<subcore_parallel>], iteration_bounds = array<i64: 2, 16>, scalar_prefetch = 0 : i64, scratch_operands = 7 : i64, tpu.core_type = #tpu.core_type<sc_vector_subcore>, window_params = [{transform_indices = #map}, {transform_indices = #map1}, {transform_indices = #map}]} {
    %mul3A = arith.constant 2 : i32
    %mul3A_0 = arith.muli %arg1, %mul3A : i32
    %add3A = arith.addi %mul3A_0, %arg0 : i32
    %mul3A_1 = arith.constant 3072 : i32
    %mul3A_2 = arith.muli %add3A, %mul3A_1 : i32
    "tpu.region"() ({
      %run_scoped3A = tpu.sem_alloc : memref<!tpu.dma_semaphore, #tpu.memory_space<semaphore_mem>>
      %dma_start3A_17 = tpu.memref_slice %arg3[%mul3A_2] : memref<98304xi32, #tpu.memory_space<hbm>> -> memref<3072xi32, #tpu.memory_space<hbm>>
      %dma_start3A_18 = tpu.memref_slice %arg3[%mul3A_2] : memref<98304xi32, #tpu.memory_space<hbm>> -> memref<3072xi32, #tpu.memory_space<hbm>>
      tpu.enqueue_dma source(%dma_start3A_18 : memref<3072xi32, #tpu.memory_space<hbm>>) target(%arg5 : memref<3072xi32, #tpu.memory_space<vmem>>) target_semaphore(%run_scoped3A : memref<!tpu.dma_semaphore, #tpu.memory_space<semaphore_mem>>)
      %dma_wait3A = tpu.memref_slice %arg3[%mul3A_2] : memref<98304xi32, #tpu.memory_space<hbm>> -> memref<3072xi32, #tpu.memory_space<hbm>>
      %dma_wait3A_19 = tpu.memref_slice %arg3[%mul3A_2] : memref<98304xi32, #tpu.memory_space<hbm>> -> memref<3072xi32, #tpu.memory_space<hbm>>
      tpu.wait_dma2 semaphore(%run_scoped3A : memref<!tpu.dma_semaphore, #tpu.memory_space<semaphore_mem>>) src(%dma_wait3A_19 : memref<3072xi32, #tpu.memory_space<hbm>>) dst(%arg5 : memref<3072xi32, #tpu.memory_space<vmem>>)
      tpu.yield
    }) : () -> ()
    %multiple_of3A = arith.constant 0 : i32
    %multiple_of3A_3 = tpu.assume_multiple %multiple_of3A, 96 : i32
    %dma_start3A = tpu.memref_slice %arg5[%multiple_of3A_3] : memref<3072xi32, #tpu.memory_space<vmem>> -> memref<96xi32, #tpu.memory_space<vmem>>
    %dma_start3A_4 = arith.constant 0 : i32
    %dma_start3A_5 = arith.constant 0 : i32
    %dma_start3A_6 = tpu.memref_slice %arg2[%dma_start3A_4, %dma_start3A_5] : memref<98304x512xf32, #tpu.memory_space<hbm>> -> memref<98304x512xf32, #tpu.memory_space<hbm>>
    tpu.enqueue_indirect_dma source(%dma_start3A_6 : memref<98304x512xf32, #tpu.memory_space<hbm>>) target(%arg6 : memref<96x512xf32, #tpu.memory_space<vmem>>) offsets(%dma_start3A : memref<96xi32, #tpu.memory_space<vmem>>) semaphore(%arg8 : memref<!tpu.dma_semaphore, #tpu.memory_space<semaphore_mem>>)
    %multiple_of3A_7 = arith.constant 96 : i32
    %multiple_of3A_8 = tpu.assume_multiple %multiple_of3A_7, 96 : i32
    %dma_start3A_9 = tpu.memref_slice %arg5[%multiple_of3A_8] : memref<3072xi32, #tpu.memory_space<vmem>> -> memref<96xi32, #tpu.memory_space<vmem>>
    %dma_start3A_10 = arith.constant 0 : i32
    %dma_start3A_11 = arith.constant 0 : i32
    %dma_start3A_12 = tpu.memref_slice %arg2[%dma_start3A_10, %dma_start3A_11] : memref<98304x512xf32, #tpu.memory_space<hbm>> -> memref<98304x512xf32, #tpu.memory_space<hbm>>
    tpu.enqueue_indirect_dma source(%dma_start3A_12 : memref<98304x512xf32, #tpu.memory_space<hbm>>) target(%arg7 : memref<96x512xf32, #tpu.memory_space<vmem>>) offsets(%dma_start3A_9 : memref<96xi32, #tpu.memory_space<vmem>>) semaphore(%arg9 : memref<!tpu.dma_semaphore, #tpu.memory_space<semaphore_mem>>)
    %scan3A = arith.constant 0 : i32
    %scan3A_13 = arith.constant 16 : i32
    %scan3A_14 = arith.addi %scan3A, %scan3A_13 : i32
    %scan3A_15 = arith.constant 1 : i32
    scf.for %scan3A_17 = %scan3A to %scan3A_14 step %scan3A_15  : i32 {
      %mul3A_18 = arith.constant 1 : i32
      %mul3A_19 = arith.muli %scan3A_17, %mul3A_18 : i32
      %add3A_20 = arith.constant 0 : i32
      %add3A_21 = arith.addi %add3A_20, %mul3A_19 : i32
      %mul3A_22 = arith.constant 2 : i32
      %mul3A_23 = arith.muli %add3A_21, %mul3A_22 : i32
      %add3A_24 = arith.constant 0 : i32
      %add3A_25 = arith.addi %mul3A_23, %add3A_24 : i32
      %mul3A_26 = arith.constant 96 : i32
      %mul3A_27 = arith.muli %add3A_25, %mul3A_26 : i32
      %multiple_of3A_28 = tpu.assume_multiple %mul3A_27, 96 : i32
      %dma_wait3A = tpu.memref_slice %arg5[%multiple_of3A_28] : memref<3072xi32, #tpu.memory_space<vmem>> -> memref<96xi32, #tpu.memory_space<vmem>>
      %dma_wait3A_29 = arith.constant 0 : i32
      %dma_wait3A_30 = arith.constant 0 : i32
      %dma_wait3A_31 = tpu.memref_slice %arg2[%dma_wait3A_29, %dma_wait3A_30] : memref<98304x512xf32, #tpu.memory_space<hbm>> -> memref<98304x512xf32, #tpu.memory_space<hbm>>
      tpu.wait_indirect_dma semaphore(%arg8 : memref<!tpu.dma_semaphore, #tpu.memory_space<semaphore_mem>>) src(%dma_wait3A_31 : memref<98304x512xf32, #tpu.memory_space<hbm>>) dst(%arg6 : memref<96x512xf32, #tpu.memory_space<vmem>>)
      %mul3A_32 = arith.constant 96 : i32
      %mul3A_33 = arith.muli %add3A_25, %mul3A_32 : i32
      %multiple_of3A_34 = tpu.assume_multiple %mul3A_33, 96 : i32
      %add3A_35 = arith.addi %mul3A_2, %multiple_of3A_34 : i32
      %dma_start3A_36 = arith.constant 0 : i32
      %dma_start3A_37 = tpu.memref_slice %arg4[%add3A_35, %dma_start3A_36] : memref<98304x512xf32, #tpu.memory_space<hbm>> -> memref<96x512xf32, #tpu.memory_space<hbm>>
      %dma_start3A_38 = arith.constant 0 : i32
      %dma_start3A_39 = tpu.memref_slice %arg4[%add3A_35, %dma_start3A_38] : memref<98304x512xf32, #tpu.memory_space<hbm>> -> memref<96x512xf32, #tpu.memory_space<hbm>>
      tpu.enqueue_dma source(%arg6 : memref<96x512xf32, #tpu.memory_space<vmem>>) target(%dma_start3A_39 : memref<96x512xf32, #tpu.memory_space<hbm>>) target_semaphore(%arg10 : memref<!tpu.dma_semaphore, #tpu.memory_space<semaphore_mem>>)
      %dma_wait3A_40 = arith.constant 0 : i32
      %dma_wait3A_41 = tpu.memref_slice %arg4[%add3A_35, %dma_wait3A_40] : memref<98304x512xf32, #tpu.memory_space<hbm>> -> memref<96x512xf32, #tpu.memory_space<hbm>>
      %dma_wait3A_42 = arith.constant 0 : i32
      %dma_wait3A_43 = tpu.memref_slice %arg4[%add3A_35, %dma_wait3A_42] : memref<98304x512xf32, #tpu.memory_space<hbm>> -> memref<96x512xf32, #tpu.memory_space<hbm>>
      tpu.wait_dma2 semaphore(%arg10 : memref<!tpu.dma_semaphore, #tpu.memory_space<semaphore_mem>>) src(%arg6 : memref<96x512xf32, #tpu.memory_space<vmem>>) dst(%dma_wait3A_43 : memref<96x512xf32, #tpu.memory_space<hbm>>)
      %add3A_44 = arith.constant 2 : i32
      %add3A_45 = arith.addi %add3A_25, %add3A_44 : i32
      %lt3A = arith.constant 32 : i32
      %lt3A_46 = arith.cmpi slt, %add3A_45, %lt3A : i32
      %convert_element_type3A = arith.extui %lt3A_46 : i1 to i32
      %cond3A = arith.constant 0 : i32
      %cond3A_47 = arith.cmpi ne, %convert_element_type3A, %cond3A : i32
      scf.if %cond3A_47 {
        %add3A_78 = arith.constant 2 : i32
        %add3A_79 = arith.addi %add3A_25, %add3A_78 : i32
        %mul3A_80 = arith.constant 96 : i32
        %mul3A_81 = arith.muli %add3A_79, %mul3A_80 : i32
        %multiple_of3A_82 = tpu.assume_multiple %mul3A_81, 96 : i32
        %dma_start3A_83 = tpu.memref_slice %arg5[%multiple_of3A_82] : memref<3072xi32, #tpu.memory_space<vmem>> -> memref<96xi32, #tpu.memory_space<vmem>>
        %dma_start3A_84 = arith.constant 0 : i32
        %dma_start3A_85 = arith.constant 0 : i32
        %dma_start3A_86 = tpu.memref_slice %arg2[%dma_start3A_84, %dma_start3A_85] : memref<98304x512xf32, #tpu.memory_space<hbm>> -> memref<98304x512xf32, #tpu.memory_space<hbm>>
        tpu.enqueue_indirect_dma source(%dma_start3A_86 : memref<98304x512xf32, #tpu.memory_space<hbm>>) target(%arg6 : memref<96x512xf32, #tpu.memory_space<vmem>>) offsets(%dma_start3A_83 : memref<96xi32, #tpu.memory_space<vmem>>) semaphore(%arg8 : memref<!tpu.dma_semaphore, #tpu.memory_space<semaphore_mem>>)
      } else {
      }
      %mul3A_48 = arith.constant 2 : i32
      %mul3A_49 = arith.muli %add3A_21, %mul3A_48 : i32
      %add3A_50 = arith.constant 1 : i32
      %add3A_51 = arith.addi %mul3A_49, %add3A_50 : i32
      %mul3A_52 = arith.constant 96 : i32
      %mul3A_53 = arith.muli %add3A_51, %mul3A_52 : i32
      %multiple_of3A_54 = tpu.assume_multiple %mul3A_53, 96 : i32
      %dma_wait3A_55 = tpu.memref_slice %arg5[%multiple_of3A_54] : memref<3072xi32, #tpu.memory_space<vmem>> -> memref<96xi32, #tpu.memory_space<vmem>>
      %dma_wait3A_56 = arith.constant 0 : i32
      %dma_wait3A_57 = arith.constant 0 : i32
      %dma_wait3A_58 = tpu.memref_slice %arg2[%dma_wait3A_56, %dma_wait3A_57] : memref<98304x512xf32, #tpu.memory_space<hbm>> -> memref<98304x512xf32, #tpu.memory_space<hbm>>
      tpu.wait_indirect_dma semaphore(%arg9 : memref<!tpu.dma_semaphore, #tpu.memory_space<semaphore_mem>>) src(%dma_wait3A_58 : memref<98304x512xf32, #tpu.memory_space<hbm>>) dst(%arg7 : memref<96x512xf32, #tpu.memory_space<vmem>>)
      %mul3A_59 = arith.constant 96 : i32
      %mul3A_60 = arith.muli %add3A_51, %mul3A_59 : i32
      %multiple_of3A_61 = tpu.assume_multiple %mul3A_60, 96 : i32
      %add3A_62 = arith.addi %mul3A_2, %multiple_of3A_61 : i32
      %dma_start3A_63 = arith.constant 0 : i32
      %dma_start3A_64 = tpu.memref_slice %arg4[%add3A_62, %dma_start3A_63] : memref<98304x512xf32, #tpu.memory_space<hbm>> -> memref<96x512xf32, #tpu.memory_space<hbm>>
      %dma_start3A_65 = arith.constant 0 : i32
      %dma_start3A_66 = tpu.memref_slice %arg4[%add3A_62, %dma_start3A_65] : memref<98304x512xf32, #tpu.memory_space<hbm>> -> memref<96x512xf32, #tpu.memory_space<hbm>>
      tpu.enqueue_dma source(%arg7 : memref<96x512xf32, #tpu.memory_space<vmem>>) target(%dma_start3A_66 : memref<96x512xf32, #tpu.memory_space<hbm>>) target_semaphore(%arg11 : memref<!tpu.dma_semaphore, #tpu.memory_space<semaphore_mem>>)
      %dma_wait3A_67 = arith.constant 0 : i32
      %dma_wait3A_68 = tpu.memref_slice %arg4[%add3A_62, %dma_wait3A_67] : memref<98304x512xf32, #tpu.memory_space<hbm>> -> memref<96x512xf32, #tpu.memory_space<hbm>>
      %dma_wait3A_69 = arith.constant 0 : i32
      %dma_wait3A_70 = tpu.memref_slice %arg4[%add3A_62, %dma_wait3A_69] : memref<98304x512xf32, #tpu.memory_space<hbm>> -> memref<96x512xf32, #tpu.memory_space<hbm>>
      tpu.wait_dma2 semaphore(%arg11 : memref<!tpu.dma_semaphore, #tpu.memory_space<semaphore_mem>>) src(%arg7 : memref<96x512xf32, #tpu.memory_space<vmem>>) dst(%dma_wait3A_70 : memref<96x512xf32, #tpu.memory_space<hbm>>)
      %add3A_71 = arith.constant 2 : i32
      %add3A_72 = arith.addi %add3A_51, %add3A_71 : i32
      %lt3A_73 = arith.constant 32 : i32
      %lt3A_74 = arith.cmpi slt, %add3A_72, %lt3A_73 : i32
      %convert_element_type3A_75 = arith.extui %lt3A_74 : i1 to i32
      %cond3A_76 = arith.constant 0 : i32
      %cond3A_77 = arith.cmpi ne, %convert_element_type3A_75, %cond3A_76 : i32
      scf.if %cond3A_77 {
        %add3A_78 = arith.constant 2 : i32
        %add3A_79 = arith.addi %add3A_51, %add3A_78 : i32
        %mul3A_80 = arith.constant 96 : i32
        %mul3A_81 = arith.muli %add3A_79, %mul3A_80 : i32
        %multiple_of3A_82 = tpu.assume_multiple %mul3A_81, 96 : i32
        %dma_start3A_83 = tpu.memref_slice %arg5[%multiple_of3A_82] : memref<3072xi32, #tpu.memory_space<vmem>> -> memref<96xi32, #tpu.memory_space<vmem>>
        %dma_start3A_84 = arith.constant 0 : i32
        %dma_start3A_85 = arith.constant 0 : i32
        %dma_start3A_86 = tpu.memref_slice %arg2[%dma_start3A_84, %dma_start3A_85] : memref<98304x512xf32, #tpu.memory_space<hbm>> -> memref<98304x512xf32, #tpu.memory_space<hbm>>
        tpu.enqueue_indirect_dma source(%dma_start3A_86 : memref<98304x512xf32, #tpu.memory_space<hbm>>) target(%arg7 : memref<96x512xf32, #tpu.memory_space<vmem>>) offsets(%dma_start3A_83 : memref<96xi32, #tpu.memory_space<vmem>>) semaphore(%arg9 : memref<!tpu.dma_semaphore, #tpu.memory_space<semaphore_mem>>)
      } else {
      }
    }
    %scan3A_16 = arith.constant 16 : i32
    return
  }
}

</mosaic_0001>

<sc_bundles>
// kernel: kernel.3.cloned.1.call-start
scs
__scs_entry_jumppad:
0x0: {  	(pc) =	sbr.rel $0x88, $3  }
0x1: {  	(tag) =	ssettag $0x0;
	lr =	simm.s32 $0x1  }
0x2: {  	[smem:$0x3FA0] =	sst lr;
	_ =	strace $0xD0000000  }
0x3: {  	_ = 	snop  }
0x4: {  	_ = 	snop  }
0x5: {  	_ = 	snop  }
0x6: {  	_ = 	snop  }
0x7: {  	_ = 	snop  }
__scs_overlays_trampoline_lowered:
0x8: {  	[smem:$0x3FAF] =	sst s0  }
0x9: {  	[smem:$0x3FB0] =	sst s1  }
0xa: {  	[smem:$0x3FB1] =	sst s2  }
0xb: {  	[smem:$0x3FB2] =	sst s3  }
0xc: {  	[smem:$0x3FB3] =	sst s4  }
0xd: {  	[smem:$0x3FB4] =	sst s5  }
0xe: {  	[smem:$0x3FB5] =	sst s6  }
0xf: {  	[smem:$0x3FB6] =	sst s7  }
0x10: {  	[smem:$0x3FB7] =	sst s8  }
0x11: {  	[smem:$0x3FB8] =	sst s9;
	s0 =	simm.s32 @!p0 $0x0  }
0x12: {  	s1 =	sld [smem:$0x3F9E];
	s0 =	simm.s32 @p0 $0x1  }
0x13: {  	[smem:$0x3FB9] =	sst s0;
	s0 =	simm.s32 @!p1 $0x0  }
0x14: {  	s2 =	sld [smem:$0x3F9D];
	s0 =	simm.s32 @p1 $0x1  }
0x15: {  	[smem:$0x3FBA] =	sst s0;
	s0 =	simm.s32 @!p2 $0x0  }
0x16: {  	s3 =	sld [smem:$0x3FDB];
	s0 =	simm.s32 @p2 $0x1  }
0x17: {  	s4 =	simm.s32 $0x1BF5;
	[smem:$0x3FBC] =	sst s0  }
0x18: {  	s0 =	sld [smem:$0x3F9F];
	_ =	swait.ge [sflag:s4], $0x0  }
0x19: {  	s7 =	sld [smem:$0x3FA0]  }
0x1a: {  	s8 =	sadd.s32 $0xFFFFE003, lr  }
0x1b: {  	s9 =	sadd.s32 $0xFFFFFEF7, lr;
	s5 =	simm.s32 $0xFFFFFFFF;
	p2 =	slt.u32 s8, $0xFFFFF086  }
0x1c: {  	p1 =	slt.u32 s9, $0xF7A;
	s5 =	simm.s32 @!p2 $0x0  }
0x1d: {  	s5 =	simm.s32 @p1 $0x1;
	p0 =	seq.s32 s7, s2  }
0x1e: {  	s7 =	smul.u32 @!p0 $0xF7A, s2;
	p2 =	seq.s32 @!p0 s5, $0x0  }
0x1f: {  	s9 =	smul.u32 $0xF7A, s1;
	s8 =	simm.s32 @!p0 $0x1BF5;
	p2 =	por !p2, p0  }
0x20: {  	[sflag:s8] =	ssyncset.s32 @!p0 $0xFFFFF086;
	s6 =	sadd.s32 @!p0 s3, s7;
	s7 =	simm.s32 @!p0 $0x108  }
0x21: {  	s3 =	sadd.s32 s3, s9;
	s6 =	sadd.s32 @!p0 $0x88, s6;
	s7 =	simm.s32 @p2 $0x1082  }
0x22: {  	[simem:s7], [sflag:s8] =	dma.local @!p0 [hbm:s6], $0xF7A  }
0x23: {  	s9 =	sor.u32 $0xD0000000, s2;
	s6 =	simm.s32 $0x108;
	_ =	swait.ge @!p0 [sflag:s8], $0x0  }
0x24: {  	s3 =	sadd.s32 $0x88, s3;
	s6 =	simm.s32 @!p1 $0x1082;
	[sflag:s4] =	ssyncset.s32 $0xFFFFF086  }
0x25: {  	[simem:s6], [sflag:s4] =	dma.local [hbm:s3], $0xF7A  }
0x26: {  	[smem:$0x3FA0] =	sst s1;
	(tag) =	ssettag s2;
	_ =	strace s9  }
0x27: {  	s1 =	sld [smem:$0x3FB0]  }
0x28: {  	s2 =	sld [smem:$0x3FB1]  }
0x29: {  	s4 =	sld [smem:$0x3FB3]  }
0x2a: {  	p0 =	seq.s32 s5, $0x0;
	s5 =	sld [smem:$0x3FB4]  }
0x2b: {  	s6 =	sld [smem:$0x3FB5]  }
0x2c: {  	s7 =	sld [smem:$0x3FB6]  }
0x2d: {  	s3 =	simm.s32 $0x108;
	s8 =	sld [smem:$0x3FB7]  }
0x2e: {  	s3 =	simm.s32 @!p0 $0x1082;
	s9 =	sld [smem:$0x3FB8]  }
0x2f: {  	lr =	sadd.s32 s0, s3;
	s0 =	sld [smem:$0x3FAF]  }
0x30: {  	s3 =	sld [smem:$0x3FB2]  }
0x31: {  	[smem:$0x3FBB] =	sst s10  }
0x32: {  	s10 =	sld [smem:$0x3FB9];
	_ =	sdelay $0x3  }
0x33: {  	p0 =	seq.s32 s10, $0x1;
	s10 =	sld [smem:$0x3FBB];
	_ =	sdelay $0x3  }
0x34: {  	[smem:$0x3FBB] =	sst s10  }
0x35: {  	s10 =	sld [smem:$0x3FBA];
	_ =	sdelay $0x3  }
0x36: {  	p1 =	seq.s32 s10, $0x1;
	s10 =	sld [smem:$0x3FBB];
	_ =	sdelay $0x3  }
0x37: {  	[smem:$0x3FBB] =	sst s10  }
0x38: {  	s10 =	sld [smem:$0x3FBC]  }
0x39: {  	_ = 	snop;
	(pc) =	sbr.ind lr, $3  }
0x3a: {  	_ = 	snop  }
0x3b: {  	_ = 	snop  }
0x3c: {  	p2 =	seq.s32 s10, $0x1;
	s10 =	sld [smem:$0x3FBB]  }
0x3d: {  	_ =	shalt  }
0x3e: {  	_ =	shalt  }
0x3f: {  	_ =	shalt  }
0x40: {  	_ =	shalt  }
0x41: {  	_ =	shalt  }
0x42: {  	_ =	shalt  }
0x43: {  	_ =	shalt  }
0x44: {  	_ =	shalt  }
0x45: {  	_ =	shalt  }
0x46: {  	_ =	shalt  }
0x47: {  	_ =	shalt  }
0x48: {  	_ =	shalt  }
0x49: {  	_ =	shalt  }
0x4a: {  	_ =	shalt  }
0x4b: {  	_ =	shalt  }
0x4c: {  	_ =	shalt  }
0x4d: {  	_ =	shalt  }
0x4e: {  	_ =	shalt  }
0x4f: {  	_ =	shalt  }
0x50: {  	_ =	shalt  }
0x51: {  	_ =	shalt  }
0x52: {  	_ =	shalt  }
0x53: {  	_ =	shalt  }
0x54: {  	_ =	shalt  }
0x55: {  	_ =	shalt  }
0x56: {  	_ =	shalt  }
0x57: {  	_ =	shalt  }
0x58: {  	_ =	shalt  }
0x59: {  	_ =	shalt  }
0x5a: {  	_ =	shalt  }
0x5b: {  	_ =	shalt  }
0x5c: {  	_ =	shalt  }
0x5d: {  	_ =	shalt  }
0x5e: {  	_ =	shalt  }
0x5f: {  	_ =	shalt  }
0x60: {  	_ =	shalt  }
0x61: {  	_ =	shalt  }
0x62: {  	_ =	shalt  }
0x63: {  	_ =	shalt  }
0x64: {  	_ =	shalt  }
0x65: {  	_ =	shalt  }
0x66: {  	_ =	shalt  }
0x67: {  	_ =	shalt  }
0x68: {  	_ =	shalt  }
0x69: {  	_ =	shalt  }
0x6a: {  	_ =	shalt  }
0x6b: {  	_ =	shalt  }
0x6c: {  	_ =	shalt  }
0x6d: {  	_ =	shalt  }
0x6e: {  	_ =	shalt  }
0x6f: {  	_ =	shalt  }
0x70: {  	_ =	shalt  }
0x71: {  	_ =	shalt  }
0x72: {  	_ =	shalt  }
0x73: {  	_ =	shalt  }
0x74: {  	_ =	shalt  }
0x75: {  	_ =	shalt  }
0x76: {  	_ =	shalt  }
0x77: {  	_ =	shalt  }
0x78: {  	_ =	shalt  }
0x79: {  	_ =	shalt  }
0x7a: {  	_ =	shalt  }
0x7b: {  	_ =	shalt  }
0x7c: {  	_ =	shalt  }
0x7d: {  	_ =	shalt  }
0x7e: {  	_ =	shalt  }
0x7f: {  	_ =	shalt  }
0x80: {  	_ =	shalt  }
0x81: {  	_ =	shalt  }
0x82: {  	_ =	shalt  }
0x83: {  	_ =	shalt  }
0x84: {  	_ =	shalt  }
0x85: {  	_ =	shalt  }
0x86: {  	_ =	shalt  }
0x87: {  	_ =	shalt  }
.Lfunc_end0:
.L_simem_size_0:
called_computation_lowered:
.L_overlay_start_0:
0x88: {  	s2 =	sld [smem:$0x3FD9]  }
0x89: {  	s3 =	sld [smem:$0x3FFE];
	_ =	sdelay $0x1  }
0x8a: {  	s1 =	srdreg.scid  }
0x8b: {  	s0 =	sand.u32 $0x1, s1  }
0x8c: {  	s17 =	sshll.u32 s0, $0xA;
	s2 =	sadd.s32 s3, s2  }
0x8d: {  	s2 =	sadd.s32 s2, s17  }
0x8e: {  	[smem:$0x3FC7] =	sst s2  }
0x8f: {  	_ = 	snop  }
0x90: {  	s2 =	sld [smem:$0x3FC9]  }
0x91: {  	s18 =	sld [smem:$0x3FD0];
	(tm) =	ssettm $0x1  }
0x92: {  	s4 =	sld [smem:$0x3FFB];
	_ =	sdelay $0x3  }
0x93: {  	_ =	strace s4  }
0x94: {  	s4 =	sld [smem:$0x3FFC];
	_ =	sdelay $0x3  }
0x95: {  	_ =	strace s4  }
0x96: {  	s4 =	sld [smem:$0x3FFD];
	_ =	sdelay $0x3  }
0x97: {  	_ =	strace s4  }
0x98: {  	_ =	strace $0x8FFFFFFF  }
0x99: {  	s19 =	sld [smem:$0x3FDB];
	_ =	sdelay $0x1  }
0x9a: {  	s5 =	simm.s32 $_scs_section_size  }
0x9b: {  	s6 =	simm.s32 $_size__tile_overlayer_lowered;
	s7 =	simm.s32 $_tile_overlayer_lowered  }
0x9c: {  	s22 =	simm.s32 $0x1BFF;
	s21 =	sshll.u32 s7, $0x1;
	s4 =	sadd.s32 s5, s19  }
0x9d: {  	s8 =	simm.s32 $0x0;
	s20 =	sshll.u32 s6, $0x1;
	s6 =	sadd.s32 s21, s4  }
0x9e: {  	[timem:s8], [sflag:s22] =	dma.local [hbm:s6], s20  }
0x9f: {  	_ =	swait.ge [sflag:s22], s20  }
0xa0: {  	s5 =	ssub.s32 $0x0, s20;
	[sflag:s22] =	ssyncset.done $0x0  }
0xa1: {  	[sflag:s22] =	ssyncadd.s32 s5;
	_ =	sdelay $0x1  }
0xa2: {  	s23 =	simm.s32 $0x1B8B  }
0xa3: {  	_ =	swait.ge [sflag:s23], $0x1  }
0xa4: {  	[sflag:s23] =	ssyncset.done $0x0  }
0xa5: {  	s25 =	simm.s32 $0x1B8E;
	s24 =	sld [smem:$0x3FFE];
	[sflag:s23] =	ssyncadd.s32 $0xFFFFFFFF  }
0xa6: {  	s26 =	simm.s32 $execute0_lowered;
	[smem:$0x3FD2] =	sst s25  }
0xa7: {  	s6 =	sshll.u32 s26, $0x1;
	_ =	strace $0x80000046;
	[dreg:$0x1] =	wrdreg $0xFFFFFFFF  }
0xa8: {  	s28 =	simm.s32 $_size_execute0_lowered;
	s4 =	sadd.s32 s4, s6;
	[dreg:$0x0] =	wrdreg $0x0  }
0xa9: {  	s6 =	sshll.u32 s28, $0x1;
	[dreg:$0x2] =	wrdreg s4  }
0xaa: {  	[dreg:$0x3] =	wrdreg s6  }
0xab: {  	[dreg:$0x4] =	wrdreg $0xC0  }
0xac: {  	_ =	task [dreg:s8], $0x5FFFF  }
0xad: {  	[dreg:$0x1] =	wrdreg $0xFFFFFFFF  }
0xae: {  	[dreg:$0x0] =	wrdreg $0x60  }
0xaf: {  	[dreg:$0x2] =	wrdreg s2  }
0xb0: {  	[dreg:$0x3] =	wrdreg s24  }
0xb1: {  	[dreg:$0x4] =	wrdreg s18  }
0xb2: {  	[dreg:$0x5] =	wrdreg $0x9  }
0xb3: {  	_ =	task.clear_ibuf [dreg:s8], $0x6FFFF;
	_ =	strace $0x90000046  }
0xb4: {  	s29 =	simm.s32 $0x9;
	_ =	strace $0x80000048  }
0xb5: {  	_ =	swait.ge [sflag:s29], $0x1  }
0xb6: {  	[sflag:s29] =	ssyncadd.s32 $0xFFFFFFFF  }
0xb7: {  	_ =	strace $0x90000048  }
0xb8: {  	_ =	sfence  }
0xb9: {  	s30 =	sld [smem:$0x0];
	_ =	sdelay $0x2  }
0xba: {  	s31 =	sshll.u32 s1, $0xD;
	s1 =	sshrl.u32 s1, $0x2  }
0xbb: {  	s3 =	sand.u32 $0x4000, s31;
	s1 =	sadd.s32 s1, s30  }
0xbc: {  	s0 =	sor.u32 s3, s0;
	s1 =	sshll.u32 s1, $0x11  }
0xbd: {  	s0 =	sor.u32 s1, s0  }
0xbe: {  	s0 =	sadd.s32 $0x8F2B, s0  }
0xbf: {  	[sflag:s0] =	ssyncadd.remote.s32 $0x1  }
0xc0: {  	_ =	sfence.sel $0xFFFF  }
0xc1: {  	[dreg:$0x0] =	wrdreg $0xFFFFFFFF;
	(pc) =	sbr.abs _section_cstart, $3  }
0xc2: {  	[dreg:$0x1] =	wrdreg $0xFFFFFFFF  }
0xc3: {  	_ =	task.clear_ibuf [dreg:s8], $0x2FFFF;
	_ =	strace $0x9FFFFFFF  }
0xc4: {  	(tm) =	ssettm $0x7FFFFFFF  }
0xc5: {  	_ =	shalt  }
tec
execute0_lowered:
.L_overlay_start_1:
0x0: {  	(tag) =	ssettag $0x1  }
0x1: {  	s1 =	rddreg [dreg:$0x0]  }
0x2: {  	s0 =	rddreg [dreg:$0x1]  }
0x3: {  	s2 =	srdreg.scid;
	s7 =	stileid.u32  }
0x4: {  	s4 =	rddreg [dreg:$0x2];
	s3 =	simm.s32 $0x0;
	s9 =	simm.s32 $0xC00  }
0x5: {  	s13 =	simm.s32 $0xD400;
	s14 =	simm.s32 $0x10400;
	s15 =	simm.s32 $0x10C00  }
0x6: {  	s16 =	simm.s32 $0x11400;
	s17 =	simm.s32 $0x11C00;
	s18 =	simm.s32 $0x12400  }
0x7: {  	s19 =	simm.s32 $0x12C00;
	s20 =	simm.s32 $0x13400;
	s21 =	simm.s32 $0x13C00  }
0x8: {  	s22 =	simm.s32 $0x14400;
	s23 =	simm.s32 $0x14C00;
	s28 =	simm.s32 $0x16C00  }
0x9: {  	s29 =	simm.s32 $0x17400;
	s30 =	simm.s32 $0x17C00;
	s31 =	simm.s32 $0x18400  }
0xa: {  	s8 =	simm.s32 $0x4;
	s11 =	simm.s32 $0x0;
	s2 =	sand.u32 $0x1, s2  }
0xb: {  	s5 =	sshll.u32 s7, $0x1;
	[smem:$0x7FF] =	sst s3;
	s7 =	smul.u32 $0x60000, s7  }
0xc: {  	s5 =	sor.u32 s2, s5;
	s6 =	ssub.s32 $0x2, s2;
	s2 =	smul.u32 $0x30000, s2  }
0xd: {  	_ =	strace $0x80000047;
	s5 =	smul.u32 $0xC00, s5;
	s24 =	sshrl.u32 s6, $0x1  }
0xe: {  	s25 =	sadd.s32 s7, s4;
	s4 =	simm.s32 $0xCC00;
	s6 =	ssub.s32 s6, s24  }
.Ltmp0:
0xf: {  	s7 =	sadd.s32 s2, s25;
	s24 =	simm.s32 $0x15400;
	(pc) =	sbr.rel .LBB2_1-.Ltmp0, $4  }
0x10: {  	s25 =	simm.s32 $0x15C00;
	s2 =	simm.s32 $0x1;
	s5 =	sshrl.u32 s5, $0x3  }
0x11: {  	v2 =	vlaneseq.u32;
	s26 =	smax.u32 s6, $0x1;
	s6 =	simm.s32 $0x2;
	s0 =	sadd.s32 s5, s0  }
0x12: {  	vm0 =	vmmov $0xffff;
	v1 =	vshrl.u32 v2, $0x3;
	s5 =	sadd.s32 $0x100, s1;
	[dreg:$0x5] =	wrdreg s26;
	s0 =	sadd.s32 $0x400, s0  }
0x13: {  	v0 =	vand.u32 $0x7, v2;
	v2 =	vor.u32 $0x8, v2;
	v1 =	vmul.u32 $0x8, v1;
	s26 =	simm.s32 $0x16400;
	[dreg:$0x4] =	wrdreg s0;
	s0 =	simm.s32 $0x3  }
.LBB2_6:
0x14: {  	s11 =	rddreg [dreg:$0x6]  }
0x15: {  	s10 =	rddreg [dreg:$0x5];
	s11 =	sadd.s32 $0x1, s11  }
0x16: {  	p0 =	sne.s32 s11, s10  }
.Ltmp1:
0x17: {  	_ = 	snop;
	(pc) =	sbr.rel @!p0 .LBB2_7-.Ltmp1, $1  }
0x18: {  	_ =	sdelay $0x3  }
.LBB2_1:
0x19: {  	[dreg:$0x6] =	wrdreg s11  }
0x1a: {  	s10 =	rddreg [dreg:$0x4];
	s12 =	simm.s32 $0x5  }
0x1b: {  	[tilespmem:s3], [sflag:$0x5] =	stream.linear.gather [hbm4b:s10+s3], $0xC00, $0x38;
	[tilespmem:$0x18C00] =	vst v63  }
0x1c: {  	_ =	swait.ge [sflag:s12], $0xC00  }
0x1d: {  	[sflag:s12] =	ssyncset.done $0x0  }
0x1e: {  	[sflag:s12] =	ssyncadd.s32 $0xFFFFF400  }
0x1f: {  	v3 =	vld [tilespmem:$0x0];
	_ =	sdelay $0x4  }
0x20: {  	v4 =	vshll.u32 v3, $0x2  }
0x21: {  	v3 =	vand.u32 $0x7, v3;
	v4 =	vand.u32 $0xFFFFFFE0, v4  }
0x22: {  	v3 =	vor.u32 v3, v4  }
0x23: {  	v4 =	vperm.xlane v3, v0;
	_ =	sdelay $0x1  }
0x24: {  	v4 =	vadd.s32 v1, v4;
	_ =	sdelay $0x1  }
0x25: {  	v3 =	vperm.xlane v3, v2;
	_ =	sdelay $0x1  }
0x26: {  	v3 =	vadd.s32 v1, v3  }
0x27: {  	[tilespmem:s9], [sflag:$0x1] =	stream.indirect_vreg.gather [hbm4b:s1+s3], $0x80, v4, vm0, $0xb8;
	[tilespmem:$0x18C00] =	vst v63  }
0x28: {  	s11 =	simm.s32 $0x1400  }
0x29: {  	[tilespmem:s11], [sflag:$0x1] =	stream.indirect_vreg.gather [hbm4b:s5+s3], $0x80, v4, vm0, $0xb8;
	[tilespmem:$0x18C00] =	vst v63  }
0x2a: {  	s12 =	simm.s32 $0x1C00  }
0x2b: {  	[tilespmem:s12], [sflag:$0x1] =	stream.indirect_vreg.gather [hbm4b:s1+s3], $0x80, v3, vm0, $0xb8;
	[tilespmem:$0x18C00] =	vst v63  }
0x2c: {  	s11 =	simm.s32 $0x2400  }
0x2d: {  	[tilespmem:s11], [sflag:$0x1] =	stream.indirect_vreg.gather [hbm4b:s5+s3], $0x80, v3, vm0, $0xb8;
	[tilespmem:$0x18C00] =	vst v63  }
0x2e: {  	v3 =	vld [tilespmem:$0x10];
	_ =	sdelay $0x4  }
0x2f: {  	v53 =	vshll.u32 v3, $0x2  }
0x30: {  	v3 =	vand.u32 $0x7, v3;
	v4 =	vand.u32 $0xFFFFFFE0, v53  }
0x31: {  	v3 =	vor.u32 v3, v4  }
0x32: {  	v4 =	vperm.xlane v3, v0;
	_ =	sdelay $0x1  }
0x33: {  	v4 =	vadd.s32 v1, v4;
	_ =	sdelay $0x1  }
0x34: {  	v3 =	vperm.xlane v3, v2;
	_ =	sdelay $0x1  }
0x35: {  	s12 =	simm.s32 $0x2C00;
	v3 =	vadd.s32 v1, v3  }
0x36: {  	[tilespmem:s12], [sflag:$0x1] =	stream.indirect_vreg.gather [hbm4b:s1+s3], $0x80, v4, vm0, $0xb8;
	[tilespmem:$0x18C00] =	vst v63  }
0x37: {  	s11 =	simm.s32 $0x3400  }
0x38: {  	[tilespmem:s11], [sflag:$0x1] =	stream.indirect_vreg.gather [hbm4b:s5+s3], $0x80, v4, vm0, $0xb8;
	[tilespmem:$0x18C00] =	vst v63  }
0x39: {  	s12 =	simm.s32 $0x3C00  }
0x3a: {  	[tilespmem:s12], [sflag:$0x1] =	stream.indirect_vreg.gather [hbm4b:s1+s3], $0x80, v3, vm0, $0xb8;
	[tilespmem:$0x18C00] =	vst v63  }
0x3b: {  	s11 =	simm.s32 $0x4400  }
0x3c: {  	[tilespmem:s11], [sflag:$0x1] =	stream.indirect_vreg.gather [hbm4b:s5+s3], $0x80, v3, vm0, $0xb8;
	[tilespmem:$0x18C00] =	vst v63  }
0x3d: {  	v3 =	vld [tilespmem:$0x20];
	_ =	sdelay $0x4  }
0x3e: {  	v54 =	vshll.u32 v3, $0x2  }
0x3f: {  	v3 =	vand.u32 $0x7, v3;
	v4 =	vand.u32 $0xFFFFFFE0, v54  }
0x40: {  	v3 =	vor.u32 v3, v4  }
0x41: {  	v4 =	vperm.xlane v3, v0;
	_ =	sdelay $0x1  }
0x42: {  	v4 =	vadd.s32 v1, v4;
	_ =	sdelay $0x1  }
0x43: {  	v3 =	vperm.xlane v3, v2;
	_ =	sdelay $0x1  }
0x44: {  	s12 =	simm.s32 $0x4C00;
	v3 =	vadd.s32 v1, v3  }
0x45: {  	[tilespmem:s12], [sflag:$0x1] =	stream.indirect_vreg.gather [hbm4b:s1+s3], $0x80, v4, vm0, $0xb8;
	[tilespmem:$0x18C00] =	vst v63  }
0x46: {  	s11 =	simm.s32 $0x5400  }
0x47: {  	[tilespmem:s11], [sflag:$0x1] =	stream.indirect_vreg.gather [hbm4b:s5+s3], $0x80, v4, vm0, $0xb8;
	[tilespmem:$0x18C00] =	vst v63  }
0x48: {  	s12 =	simm.s32 $0x5C00  }
0x49: {  	[tilespmem:s12], [sflag:$0x1] =	stream.indirect_vreg.gather [hbm4b:s1+s3], $0x80, v3, vm0, $0xb8;
	[tilespmem:$0x18C00] =	vst v63  }
0x4a: {  	s11 =	simm.s32 $0x6400  }
0x4b: {  	[tilespmem:s11], [sflag:$0x1] =	stream.indirect_vreg.gather [hbm4b:s5+s3], $0x80, v3, vm0, $0xb8;
	[tilespmem:$0x18C00] =	vst v63  }
0x4c: {  	v3 =	vld [tilespmem:$0x30];
	_ =	sdelay $0x4  }
0x4d: {  	v55 =	vshll.u32 v3, $0x2  }
0x4e: {  	v3 =	vand.u32 $0x7, v3;
	v4 =	vand.u32 $0xFFFFFFE0, v55  }
0x4f: {  	v3 =	vor.u32 v3, v4  }
0x50: {  	v4 =	vperm.xlane v3, v0;
	_ =	sdelay $0x1  }
0x51: {  	v4 =	vadd.s32 v1, v4;
	_ =	sdelay $0x1  }
0x52: {  	v3 =	vperm.xlane v3, v2;
	_ =	sdelay $0x1  }
0x53: {  	s12 =	simm.s32 $0x6C00;
	v3 =	vadd.s32 v1, v3  }
0x54: {  	[tilespmem:s12], [sflag:$0x1] =	stream.indirect_vreg.gather [hbm4b:s1+s3], $0x80, v4, vm0, $0xb8;
	[tilespmem:$0x18C00] =	vst v63  }
0x55: {  	s11 =	simm.s32 $0x7400  }
0x56: {  	[tilespmem:s11], [sflag:$0x1] =	stream.indirect_vreg.gather [hbm4b:s5+s3], $0x80, v4, vm0, $0xb8;
	[tilespmem:$0x18C00] =	vst v63  }
0x57: {  	s12 =	simm.s32 $0x7C00  }
0x58: {  	[tilespmem:s12], [sflag:$0x1] =	stream.indirect_vreg.gather [hbm4b:s1+s3], $0x80, v3, vm0, $0xb8;
	[tilespmem:$0x18C00] =	vst v63  }
0x59: {  	s11 =	simm.s32 $0x8400  }
0x5a: {  	[tilespmem:s11], [sflag:$0x1] =	stream.indirect_vreg.gather [hbm4b:s5+s3], $0x80, v3, vm0, $0xb8;
	[tilespmem:$0x18C00] =	vst v63  }
0x5b: {  	v3 =	vld [tilespmem:$0x40];
	_ =	sdelay $0x4  }
0x5c: {  	v56 =	vshll.u32 v3, $0x2  }
0x5d: {  	v3 =	vand.u32 $0x7, v3;
	v4 =	vand.u32 $0xFFFFFFE0, v56  }
0x5e: {  	v3 =	vor.u32 v3, v4  }
0x5f: {  	v4 =	vperm.xlane v3, v0;
	_ =	sdelay $0x1  }
0x60: {  	v4 =	vadd.s32 v1, v4;
	_ =	sdelay $0x1  }
0x61: {  	v3 =	vperm.xlane v3, v2;
	_ =	sdelay $0x1  }
0x62: {  	s12 =	simm.s32 $0x8C00;
	v3 =	vadd.s32 v1, v3  }
0x63: {  	[tilespmem:s12], [sflag:$0x1] =	stream.indirect_vreg.gather [hbm4b:s1+s3], $0x80, v4, vm0, $0xb8;
	[tilespmem:$0x18C00] =	vst v63  }
0x64: {  	s11 =	simm.s32 $0x9400  }
0x65: {  	[tilespmem:s11], [sflag:$0x1] =	stream.indirect_vreg.gather [hbm4b:s5+s3], $0x80, v4, vm0, $0xb8;
	[tilespmem:$0x18C00] =	vst v63  }
0x66: {  	s12 =	simm.s32 $0x9C00  }
0x67: {  	[tilespmem:s12], [sflag:$0x1] =	stream.indirect_vreg.gather [hbm4b:s1+s3], $0x80, v3, vm0, $0xb8;
	[tilespmem:$0x18C00] =	vst v63  }
0x68: {  	s11 =	simm.s32 $0xA400  }
0x69: {  	[tilespmem:s11], [sflag:$0x1] =	stream.indirect_vreg.gather [hbm4b:s5+s3], $0x80, v3, vm0, $0xb8;
	[tilespmem:$0x18C00] =	vst v63  }
0x6a: {  	v3 =	vld [tilespmem:$0x50];
	_ =	sdelay $0x4  }
0x6b: {  	v57 =	vshll.u32 v3, $0x2  }
0x6c: {  	v3 =	vand.u32 $0x7, v3;
	v4 =	vand.u32 $0xFFFFFFE0, v57  }
0x6d: {  	v3 =	vor.u32 v3, v4  }
0x6e: {  	v4 =	vperm.xlane v3, v0;
	_ =	sdelay $0x1  }
0x6f: {  	v4 =	vadd.s32 v1, v4;
	_ =	sdelay $0x1  }
0x70: {  	v3 =	vperm.xlane v3, v2;
	_ =	sdelay $0x1  }
0x71: {  	s12 =	simm.s32 $0xAC00;
	v3 =	vadd.s32 v1, v3  }
0x72: {  	[tilespmem:s12], [sflag:$0x1] =	stream.indirect_vreg.gather [hbm4b:s1+s3], $0x80, v4, vm0, $0xb8;
	[tilespmem:$0x18C00] =	vst v63  }
0x73: {  	s11 =	simm.s32 $0xB400  }
0x74: {  	[tilespmem:s11], [sflag:$0x1] =	stream.indirect_vreg.gather [hbm4b:s5+s3], $0x80, v4, vm0, $0xb8;
	[tilespmem:$0x18C00] =	vst v63  }
0x75: {  	s12 =	simm.s32 $0xBC00  }
0x76: {  	[tilespmem:s12], [sflag:$0x1] =	stream.indirect_vreg.gather [hbm4b:s1+s3], $0x80, v3, vm0, $0xb8;
	[tilespmem:$0x18C00] =	vst v63  }
0x77: {  	s11 =	simm.s32 $0xC400  }
0x78: {  	[tilespmem:s11], [sflag:$0x1] =	stream.indirect_vreg.gather [hbm4b:s5+s3], $0x80, v3, vm0, $0xb8;
	[tilespmem:$0x18C00] =	vst v63  }
0x79: {  	v3 =	vld [tilespmem:$0x60];
	_ =	sdelay $0x4  }
0x7a: {  	v58 =	vshll.u32 v3, $0x2  }
0x7b: {  	v3 =	vand.u32 $0x7, v3;
	v4 =	vand.u32 $0xFFFFFFE0, v58  }
0x7c: {  	v3 =	vor.u32 v3, v4  }
0x7d: {  	v4 =	vperm.xlane v3, v0;
	_ =	sdelay $0x1  }
0x7e: {  	v4 =	vadd.s32 v1, v4;
	_ =	sdelay $0x1  }
0x7f: {  	v3 =	vperm.xlane v3, v2;
	_ =	sdelay $0x1  }
0x80: {  	v3 =	vadd.s32 v1, v3  }
0x81: {  	[tilespmem:s4], [sflag:$0x2] =	stream.indirect_vreg.gather [hbm4b:s1+s3], $0x80, v4, vm0, $0xb8;
	[tilespmem:$0x18C00] =	vst v63  }
0x82: {  	_ = 	snop  }
0x83: {  	[tilespmem:s13], [sflag:$0x2] =	stream.indirect_vreg.gather [hbm4b:s5+s3], $0x80, v4, vm0, $0xb8;
	[tilespmem:$0x18C00] =	vst v63  }
0x84: {  	s12 =	simm.s32 $0xDC00  }
0x85: {  	[tilespmem:s12], [sflag:$0x2] =	stream.indirect_vreg.gather [hbm4b:s1+s3], $0x80, v3, vm0, $0xb8;
	[tilespmem:$0x18C00] =	vst v63  }
0x86: {  	s11 =	simm.s32 $0xE400  }
0x87: {  	[tilespmem:s11], [sflag:$0x2] =	stream.indirect_vreg.gather [hbm4b:s5+s3], $0x80, v3, vm0, $0xb8;
	[tilespmem:$0x18C00] =	vst v63  }
0x88: {  	v3 =	vld [tilespmem:$0x70];
	_ =	sdelay $0x4  }
0x89: {  	v59 =	vshll.u32 v3, $0x2  }
0x8a: {  	v3 =	vand.u32 $0x7, v3;
	v4 =	vand.u32 $0xFFFFFFE0, v59  }
0x8b: {  	v3 =	vor.u32 v3, v4  }
0x8c: {  	v4 =	vperm.xlane v3, v0;
	_ =	sdelay $0x1  }
0x8d: {  	v4 =	vadd.s32 v1, v4;
	_ =	sdelay $0x1  }
0x8e: {  	v3 =	vperm.xlane v3, v2;
	_ =	sdelay $0x1  }
0x8f: {  	s12 =	simm.s32 $0xEC00;
	v3 =	vadd.s32 v1, v3  }
0x90: {  	[tilespmem:s12], [sflag:$0x2] =	stream.indirect_vreg.gather [hbm4b:s1+s3], $0x80, v4, vm0, $0xb8;
	[tilespmem:$0x18C00] =	vst v63  }
0x91: {  	s11 =	simm.s32 $0xF400  }
0x92: {  	[tilespmem:s11], [sflag:$0x2] =	stream.indirect_vreg.gather [hbm4b:s5+s3], $0x80, v4, vm0, $0xb8;
	[tilespmem:$0x18C00] =	vst v63  }
0x93: {  	s12 =	simm.s32 $0xFC00  }
0x94: {  	[tilespmem:s12], [sflag:$0x2] =	stream.indirect_vreg.gather [hbm4b:s1+s3], $0x80, v3, vm0, $0xb8;
	[tilespmem:$0x18C00] =	vst v63  }
0x95: {  	_ = 	snop  }
0x96: {  	[tilespmem:s14], [sflag:$0x2] =	stream.indirect_vreg.gather [hbm4b:s5+s3], $0x80, v3, vm0, $0xb8;
	[tilespmem:$0x18C00] =	vst v63  }
0x97: {  	v3 =	vld [tilespmem:$0x80];
	_ =	sdelay $0x4  }
0x98: {  	v60 =	vshll.u32 v3, $0x2  }
0x99: {  	v3 =	vand.u32 $0x7, v3;
	v4 =	vand.u32 $0xFFFFFFE0, v60  }
0x9a: {  	v3 =	vor.u32 v3, v4  }
0x9b: {  	v4 =	vperm.xlane v3, v0;
	_ =	sdelay $0x1  }
0x9c: {  	v4 =	vadd.s32 v1, v4;
	_ =	sdelay $0x1  }
0x9d: {  	v3 =	vperm.xlane v3, v2;
	_ =	sdelay $0x1  }
0x9e: {  	v3 =	vadd.s32 v1, v3  }
0x9f: {  	[tilespmem:s15], [sflag:$0x2] =	stream.indirect_vreg.gather [hbm4b:s1+s3], $0x80, v4, vm0, $0xb8;
	[tilespmem:$0x18C00] =	vst v63  }
0xa0: {  	_ = 	snop  }
0xa1: {  	[tilespmem:s16], [sflag:$0x2] =	stream.indirect_vreg.gather [hbm4b:s5+s3], $0x80, v4, vm0, $0xb8;
	[tilespmem:$0x18C00] =	vst v63  }
0xa2: {  	_ = 	snop  }
0xa3: {  	[tilespmem:s17], [sflag:$0x2] =	stream.indirect_vreg.gather [hbm4b:s1+s3], $0x80, v3, vm0, $0xb8;
	[tilespmem:$0x18C00] =	vst v63  }
0xa4: {  	_ = 	snop  }
0xa5: {  	[tilespmem:s18], [sflag:$0x2] =	stream.indirect_vreg.gather [hbm4b:s5+s3], $0x80, v3, vm0, $0xb8;
	[tilespmem:$0x18C00] =	vst v63  }
0xa6: {  	v3 =	vld [tilespmem:$0x90];
	_ =	sdelay $0x4  }
0xa7: {  	v61 =	vshll.u32 v3, $0x2  }
0xa8: {  	v3 =	vand.u32 $0x7, v3;
	v4 =	vand.u32 $0xFFFFFFE0, v61  }
0xa9: {  	v3 =	vor.u32 v3, v4  }
0xaa: {  	v4 =	vperm.xlane v3, v0;
	_ =	sdelay $0x1  }
0xab: {  	v4 =	vadd.s32 v1, v4;
	_ =	sdelay $0x1  }
0xac: {  	v3 =	vperm.xlane v3, v2;
	_ =	sdelay $0x1  }
0xad: {  	v3 =	vadd.s32 v1, v3  }
0xae: {  	[tilespmem:s19], [sflag:$0x2] =	stream.indirect_vreg.gather [hbm4b:s1+s3], $0x80, v4, vm0, $0xb8;
	[tilespmem:$0x18C00] =	vst v63  }
0xaf: {  	_ = 	snop  }
0xb0: {  	[tilespmem:s20], [sflag:$0x2] =	stream.indirect_vreg.gather [hbm4b:s5+s3], $0x80, v4, vm0, $0xb8;
	[tilespmem:$0x18C00] =	vst v63  }
0xb1: {  	_ = 	snop  }
0xb2: {  	[tilespmem:s21], [sflag:$0x2] =	stream.indirect_vreg.gather [hbm4b:s1+s3], $0x80, v3, vm0, $0xb8;
	[tilespmem:$0x18C00] =	vst v63  }
0xb3: {  	_ = 	snop  }
0xb4: {  	[tilespmem:s22], [sflag:$0x2] =	stream.indirect_vreg.gather [hbm4b:s5+s3], $0x80, v3, vm0, $0xb8;
	[tilespmem:$0x18C00] =	vst v63  }
0xb5: {  	v3 =	vld [tilespmem:$0xA0];
	_ =	sdelay $0x4  }
0xb6: {  	v62 =	vshll.u32 v3, $0x2  }
0xb7: {  	v3 =	vand.u32 $0x7, v3;
	v4 =	vand.u32 $0xFFFFFFE0, v62  }
0xb8: {  	v3 =	vor.u32 v3, v4  }
0xb9: {  	v4 =	vperm.xlane v3, v0;
	_ =	sdelay $0x1  }
0xba: {  	v4 =	vadd.s32 v1, v4;
	_ =	sdelay $0x1  }
0xbb: {  	v3 =	vperm.xlane v3, v2;
	_ =	sdelay $0x1  }
0xbc: {  	v3 =	vadd.s32 v1, v3  }
0xbd: {  	[tilespmem:s23], [sflag:$0x2] =	stream.indirect_vreg.gather [hbm4b:s1+s3], $0x80, v4, vm0, $0xb8;
	[tilespmem:$0x18C00] =	vst v63  }
0xbe: {  	_ = 	snop  }
0xbf: {  	[tilespmem:s24], [sflag:$0x2] =	stream.indirect_vreg.gather [hbm4b:s5+s3], $0x80, v4, vm0, $0xb8;
	[tilespmem:$0x18C00] =	vst v63  }
0xc0: {  	_ = 	snop  }
0xc1: {  	[tilespmem:s25], [sflag:$0x2] =	stream.indirect_vreg.gather [hbm4b:s1+s3], $0x80, v3, vm0, $0xb8;
	[tilespmem:$0x18C00] =	vst v63  }
0xc2: {  	_ = 	snop  }
0xc3: {  	[tilespmem:s26], [sflag:$0x2] =	stream.indirect_vreg.gather [hbm4b:s5+s3], $0x80, v3, vm0, $0xb8;
	[tilespmem:$0x18C00] =	vst v63  }
0xc4: {  	v3 =	vld [tilespmem:$0xB0];
	_ =	sdelay $0x4  }
0xc5: {  	v63 =	vshll.u32 v3, $0x2  }
0xc6: {  	v3 =	vand.u32 $0x7, v3;
	v4 =	vand.u32 $0xFFFFFFE0, v63  }
0xc7: {  	v3 =	vor.u32 v3, v4  }
0xc8: {  	v4 =	vperm.xlane v3, v0;
	_ =	sdelay $0x1  }
0xc9: {  	v4 =	vadd.s32 v1, v4;
	_ =	sdelay $0x1  }
0xca: {  	v3 =	vperm.xlane v3, v2;
	_ =	sdelay $0x1  }
0xcb: {  	v3 =	vadd.s32 v1, v3  }
0xcc: {  	[tilespmem:s28], [sflag:$0x2] =	stream.indirect_vreg.gather [hbm4b:s1+s3], $0x80, v4, vm0, $0xb8;
	[tilespmem:$0x18C00] =	vst v63  }
0xcd: {  	_ = 	snop  }
0xce: {  	[tilespmem:s29], [sflag:$0x2] =	stream.indirect_vreg.gather [hbm4b:s5+s3], $0x80, v4, vm0, $0xb8;
	[tilespmem:$0x18C00] =	vst v63  }
0xcf: {  	_ = 	snop  }
0xd0: {  	[tilespmem:s30], [sflag:$0x2] =	stream.indirect_vreg.gather [hbm4b:s1+s3], $0x80, v3, vm0, $0xb8;
	[tilespmem:$0x18C00] =	vst v63  }
0xd1: {  	s10 =	simm.s32 $0x170;
	s11 =	simm.s32 $0x0  }
0xd2: {  	[tilespmem:s31], [sflag:$0x2] =	stream.indirect_vreg.gather [hbm4b:s5+s3], $0x80, v3, vm0, $0xb8;
	[tilespmem:$0x18C00] =	vst v63  }
.LBB2_2:
0xd3: {  	_ =	swait.ge [sflag:s2], $0xC000  }
0xd4: {  	p0 =	seq.s32 s11, $0x2D000;
	[sflag:s2] =	ssyncset.done $0x0  }
.Ltmp2:
0xd5: {  	s12 =	sadd.s32 s11, s7;
	[sflag:s2] =	ssyncadd.s32 $0xFFFF4000;
	(pc) =	sbr.rel @p0 .LBB2_4-.Ltmp2, $4  }
0xd6: {  	[hbm4b:s12+s3] =	stream.linear.scatter [tilespmem:s9], [sflag:$0x3], $0xC000, $0x38;
	[tilespmem:$0x18C00] =	vst v63  }
0xd7: {  	_ =	swait.ge [sflag:s0], $0xC000  }
0xd8: {  	[sflag:s0] =	ssyncset.done $0x0  }
0xd9: {  	[sflag:s0] =	ssyncadd.s32 $0xFFFF4000  }
0xda: {  	v3 =	vld [tilespmem:s10+$0xFFFFFF50];
	_ =	sdelay $0x4  }
0xdb: {  	v4 =	vshll.u32 v3, $0x2  }
0xdc: {  	v3 =	vand.u32 $0x7, v3;
	v4 =	vand.u32 $0xFFFFFFE0, v4  }
0xdd: {  	v3 =	vor.u32 v3, v4  }
0xde: {  	v4 =	vperm.xlane v3, v0;
	_ =	sdelay $0x1  }
0xdf: {  	v4 =	vadd.s32 v1, v4;
	_ =	sdelay $0x1  }
0xe0: {  	v3 =	vperm.xlane v3, v2;
	_ =	sdelay $0x1  }
0xe1: {  	v3 =	vadd.s32 v1, v3  }
0xe2: {  	[tilespmem:s9], [sflag:$0x1] =	stream.indirect_vreg.gather [hbm4b:s1+s3], $0x80, v4, vm0, $0xb8;
	[tilespmem:$0x18C00] =	vst v63  }
0xe3: {  	s13 =	simm.s32 $0x1400  }
0xe4: {  	[tilespmem:s13], [sflag:$0x1] =	stream.indirect_vreg.gather [hbm4b:s5+s3], $0x80, v4, vm0, $0xb8;
	[tilespmem:$0x18C00] =	vst v63  }
0xe5: {  	s13 =	simm.s32 $0x1C00  }
0xe6: {  	[tilespmem:s13], [sflag:$0x1] =	stream.indirect_vreg.gather [hbm4b:s1+s3], $0x80, v3, vm0, $0xb8;
	[tilespmem:$0x18C00] =	vst v63  }
0xe7: {  	s13 =	simm.s32 $0x2400  }
0xe8: {  	[tilespmem:s13], [sflag:$0x1] =	stream.indirect_vreg.gather [hbm4b:s5+s3], $0x80, v3, vm0, $0xb8;
	[tilespmem:$0x18C00] =	vst v63  }
0xe9: {  	v3 =	vld [tilespmem:s10+$0xFFFFFF60];
	_ =	sdelay $0x4  }
0xea: {  	v59 =	vshll.u32 v3, $0x2  }
0xeb: {  	v3 =	vand.u32 $0x7, v3;
	v4 =	vand.u32 $0xFFFFFFE0, v59  }
0xec: {  	v3 =	vor.u32 v3, v4  }
0xed: {  	v4 =	vperm.xlane v3, v0;
	_ =	sdelay $0x1  }
0xee: {  	v4 =	vadd.s32 v1, v4;
	_ =	sdelay $0x1  }
0xef: {  	v3 =	vperm.xlane v3, v2;
	_ =	sdelay $0x1  }
0xf0: {  	s13 =	simm.s32 $0x2C00;
	v3 =	vadd.s32 v1, v3  }
0xf1: {  	[tilespmem:s13], [sflag:$0x1] =	stream.indirect_vreg.gather [hbm4b:s1+s3], $0x80, v4, vm0, $0xb8;
	[tilespmem:$0x18C00] =	vst v63  }
0xf2: {  	s13 =	simm.s32 $0x3400  }
0xf3: {  	[tilespmem:s13], [sflag:$0x1] =	stream.indirect_vreg.gather [hbm4b:s5+s3], $0x80, v4, vm0, $0xb8;
	[tilespmem:$0x18C00] =	vst v63  }
0xf4: {  	s13 =	simm.s32 $0x3C00  }
0xf5: {  	[tilespmem:s13], [sflag:$0x1] =	stream.indirect_vreg.gather [hbm4b:s1+s3], $0x80, v3, vm0, $0xb8;
	[tilespmem:$0x18C00] =	vst v63  }
0xf6: {  	s13 =	simm.s32 $0x4400  }
0xf7: {  	[tilespmem:s13], [sflag:$0x1] =	stream.indirect_vreg.gather [hbm4b:s5+s3], $0x80, v3, vm0, $0xb8;
	[tilespmem:$0x18C00] =	vst v63  }
0xf8: {  	v3 =	vld [tilespmem:s10+$0xFFFFFF70];
	_ =	sdelay $0x4  }
0xf9: {  	v60 =	vshll.u32 v3, $0x2  }
0xfa: {  	v3 =	vand.u32 $0x7, v3;
	v4 =	vand.u32 $0xFFFFFFE0, v60  }
0xfb: {  	v3 =	vor.u32 v3, v4  }
0xfc: {  	v4 =	vperm.xlane v3, v0;
	_ =	sdelay $0x1  }
0xfd: {  	v4 =	vadd.s32 v1, v4;
	_ =	sdelay $0x1  }
0xfe: {  	v3 =	vperm.xlane v3, v2;
	_ =	sdelay $0x1  }
0xff: {  	s13 =	simm.s32 $0x4C00;
	v3 =	vadd.s32 v1, v3  }
0x100: {  	[tilespmem:s13], [sflag:$0x1] =	stream.indirect_vreg.gather [hbm4b:s1+s3], $0x80, v4, vm0, $0xb8;
	[tilespmem:$0x18C00] =	vst v63  }
0x101: {  	s13 =	simm.s32 $0x5400  }
0x102: {  	[tilespmem:s13], [sflag:$0x1] =	stream.indirect_vreg.gather [hbm4b:s5+s3], $0x80, v4, vm0, $0xb8;
	[tilespmem:$0x18C00] =	vst v63  }
0x103: {  	s13 =	simm.s32 $0x5C00  }
0x104: {  	[tilespmem:s13], [sflag:$0x1] =	stream.indirect_vreg.gather [hbm4b:s1+s3], $0x80, v3, vm0, $0xb8;
	[tilespmem:$0x18C00] =	vst v63  }
0x105: {  	s13 =	simm.s32 $0x6400  }
0x106: {  	[tilespmem:s13], [sflag:$0x1] =	stream.indirect_vreg.gather [hbm4b:s5+s3], $0x80, v3, vm0, $0xb8;
	[tilespmem:$0x18C00] =	vst v63  }
0x107: {  	v3 =	vld [tilespmem:s10+$0xFFFFFF80];
	_ =	sdelay $0x4  }
0x108: {  	v61 =	vshll.u32 v3, $0x2  }
0x109: {  	v3 =	vand.u32 $0x7, v3;
	v4 =	vand.u32 $0xFFFFFFE0, v61  }
0x10a: {  	v3 =	vor.u32 v3, v4  }
0x10b: {  	v4 =	vperm.xlane v3, v0;
	_ =	sdelay $0x1  }
0x10c: {  	v4 =	vadd.s32 v1, v4;
	_ =	sdelay $0x1  }
0x10d: {  	v3 =	vperm.xlane v3, v2;
	_ =	sdelay $0x1  }
0x10e: {  	s13 =	simm.s32 $0x6C00;
	v3 =	vadd.s32 v1, v3  }
0x10f: {  	[tilespmem:s13], [sflag:$0x1] =	stream.indirect_vreg.gather [hbm4b:s1+s3], $0x80, v4, vm0, $0xb8;
	[tilespmem:$0x18C00] =	vst v63  }
0x110: {  	s13 =	simm.s32 $0x7400  }
0x111: {  	[tilespmem:s13], [sflag:$0x1] =	stream.indirect_vreg.gather [hbm4b:s5+s3], $0x80, v4, vm0, $0xb8;
	[tilespmem:$0x18C00] =	vst v63  }
0x112: {  	s13 =	simm.s32 $0x7C00  }
0x113: {  	[tilespmem:s13], [sflag:$0x1] =	stream.indirect_vreg.gather [hbm4b:s1+s3], $0x80, v3, vm0, $0xb8;
	[tilespmem:$0x18C00] =	vst v63  }
0x114: {  	s13 =	simm.s32 $0x8400  }
0x115: {  	[tilespmem:s13], [sflag:$0x1] =	stream.indirect_vreg.gather [hbm4b:s5+s3], $0x80, v3, vm0, $0xb8;
	[tilespmem:$0x18C00] =	vst v63  }
0x116: {  	v3 =	vld [tilespmem:s10+$0xFFFFFF90];
	_ =	sdelay $0x4  }
0x117: {  	v62 =	vshll.u32 v3, $0x2  }
0x118: {  	v3 =	vand.u32 $0x7, v3;
	v4 =	vand.u32 $0xFFFFFFE0, v62  }
0x119: {  	v3 =	vor.u32 v3, v4  }
0x11a: {  	v4 =	vperm.xlane v3, v0;
	_ =	sdelay $0x1  }
0x11b: {  	v4 =	vadd.s32 v1, v4;
	_ =	sdelay $0x1  }
0x11c: {  	v3 =	vperm.xlane v3, v2;
	_ =	sdelay $0x1  }
0x11d: {  	s13 =	simm.s32 $0x8C00;
	v3 =	vadd.s32 v1, v3  }
0x11e: {  	[tilespmem:s13], [sflag:$0x1] =	stream.indirect_vreg.gather [hbm4b:s1+s3], $0x80, v4, vm0, $0xb8;
	[tilespmem:$0x18C00] =	vst v63  }
0x11f: {  	s13 =	simm.s32 $0x9400  }
0x120: {  	[tilespmem:s13], [sflag:$0x1] =	stream.indirect_vreg.gather [hbm4b:s5+s3], $0x80, v4, vm0, $0xb8;
	[tilespmem:$0x18C00] =	vst v63  }
0x121: {  	s13 =	simm.s32 $0x9C00  }
0x122: {  	[tilespmem:s13], [sflag:$0x1] =	stream.indirect_vreg.gather [hbm4b:s1+s3], $0x80, v3, vm0, $0xb8;
	[tilespmem:$0x18C00] =	vst v63  }
0x123: {  	s13 =	simm.s32 $0xA400  }
0x124: {  	[tilespmem:s13], [sflag:$0x1] =	stream.indirect_vreg.gather [hbm4b:s5+s3], $0x80, v3, vm0, $0xb8;
	[tilespmem:$0x18C00] =	vst v63  }
0x125: {  	v3 =	vld [tilespmem:s10+$0xFFFFFFA0];
	_ =	sdelay $0x4  }
0x126: {  	v63 =	vshll.u32 v3, $0x2  }
0x127: {  	v3 =	vand.u32 $0x7, v3;
	v4 =	vand.u32 $0xFFFFFFE0, v63  }
0x128: {  	v3 =	vor.u32 v3, v4  }
0x129: {  	v4 =	vperm.xlane v3, v0;
	_ =	sdelay $0x1  }
0x12a: {  	v4 =	vadd.s32 v1, v4;
	_ =	sdelay $0x1  }
0x12b: {  	v3 =	vperm.xlane v3, v2;
	_ =	sdelay $0x1  }
0x12c: {  	s13 =	simm.s32 $0xAC00;
	v3 =	vadd.s32 v1, v3  }
0x12d: {  	[tilespmem:s13], [sflag:$0x1] =	stream.indirect_vreg.gather [hbm4b:s1+s3], $0x80, v4, vm0, $0xb8;
	[tilespmem:$0x18C00] =	vst v63  }
0x12e: {  	s13 =	simm.s32 $0xB400  }
0x12f: {  	[tilespmem:s13], [sflag:$0x1] =	stream.indirect_vreg.gather [hbm4b:s5+s3], $0x80, v4, vm0, $0xb8;
	[tilespmem:$0x18C00] =	vst v63  }
0x130: {  	s13 =	simm.s32 $0xBC00  }
0x131: {  	[tilespmem:s13], [sflag:$0x1] =	stream.indirect_vreg.gather [hbm4b:s1+s3], $0x80, v3, vm0, $0xb8;
	[tilespmem:$0x18C00] =	vst v63  }
0x132: {  	s13 =	simm.s32 $0xC400  }
0x133: {  	[tilespmem:s13], [sflag:$0x1] =	stream.indirect_vreg.gather [hbm4b:s5+s3], $0x80, v3, vm0, $0xb8;
	[tilespmem:$0x18C00] =	vst v63  }
0x134: {  	s13 =	simm.s32 $0xD400  }
.LBB2_4:
0x135: {  	_ =	swait.ge [sflag:s6], $0xC000  }
0x136: {  	[sflag:s6] =	ssyncset.done $0x0  }
.Ltmp3:
0x137: {  	s12 =	sadd.s32 $0x1800, s12;
	[sflag:s6] =	ssyncadd.s32 $0xFFFF4000;
	(pc) =	sbr.rel @p0 .LBB2_6-.Ltmp3, $4  }
0x138: {  	[hbm4b:s12+s3] =	stream.linear.scatter [tilespmem:s4], [sflag:$0x4], $0xC000, $0x38;
	[tilespmem:$0x18C00] =	vst v63  }
0x139: {  	_ =	swait.ge [sflag:s8], $0xC000  }
0x13a: {  	[sflag:s8] =	ssyncset.done $0x0  }
0x13b: {  	[sflag:s8] =	ssyncadd.s32 $0xFFFF4000  }
0x13c: {  	v3 =	vld [tilespmem:s10+$0xFFFFFFB0];
	_ =	sdelay $0x4  }
0x13d: {  	v4 =	vshll.u32 v3, $0x2  }
0x13e: {  	v3 =	vand.u32 $0x7, v3;
	v4 =	vand.u32 $0xFFFFFFE0, v4  }
0x13f: {  	v3 =	vor.u32 v3, v4  }
0x140: {  	v4 =	vperm.xlane v3, v0;
	_ =	sdelay $0x1  }
0x141: {  	v4 =	vadd.s32 v1, v4;
	_ =	sdelay $0x1  }
0x142: {  	v3 =	vperm.xlane v3, v2;
	_ =	sdelay $0x1  }
0x143: {  	v3 =	vadd.s32 v1, v3  }
0x144: {  	[tilespmem:s4], [sflag:$0x2] =	stream.indirect_vreg.gather [hbm4b:s1+s3], $0x80, v4, vm0, $0xb8;
	[tilespmem:$0x18C00] =	vst v63  }
0x145: {  	_ = 	snop  }
0x146: {  	[tilespmem:s13], [sflag:$0x2] =	stream.indirect_vreg.gather [hbm4b:s5+s3], $0x80, v4, vm0, $0xb8;
	[tilespmem:$0x18C00] =	vst v63  }
0x147: {  	s12 =	simm.s32 $0xDC00  }
0x148: {  	[tilespmem:s12], [sflag:$0x2] =	stream.indirect_vreg.gather [hbm4b:s1+s3], $0x80, v3, vm0, $0xb8;
	[tilespmem:$0x18C00] =	vst v63  }
0x149: {  	s12 =	simm.s32 $0xE400  }
0x14a: {  	[tilespmem:s12], [sflag:$0x2] =	stream.indirect_vreg.gather [hbm4b:s5+s3], $0x80, v3, vm0, $0xb8;
	[tilespmem:$0x18C00] =	vst v63  }
0x14b: {  	v3 =	vld [tilespmem:s10+$0xFFFFFFC0];
	_ =	sdelay $0x4  }
0x14c: {  	v59 =	vshll.u32 v3, $0x2  }
0x14d: {  	v3 =	vand.u32 $0x7, v3;
	v4 =	vand.u32 $0xFFFFFFE0, v59  }
0x14e: {  	v3 =	vor.u32 v3, v4  }
0x14f: {  	v4 =	vperm.xlane v3, v0;
	_ =	sdelay $0x1  }
0x150: {  	v4 =	vadd.s32 v1, v4;
	_ =	sdelay $0x1  }
0x151: {  	v3 =	vperm.xlane v3, v2;
	_ =	sdelay $0x1  }
0x152: {  	s12 =	simm.s32 $0xEC00;
	v3 =	vadd.s32 v1, v3  }
0x153: {  	[tilespmem:s12], [sflag:$0x2] =	stream.indirect_vreg.gather [hbm4b:s1+s3], $0x80, v4, vm0, $0xb8;
	[tilespmem:$0x18C00] =	vst v63  }
0x154: {  	s12 =	simm.s32 $0xF400  }
0x155: {  	[tilespmem:s12], [sflag:$0x2] =	stream.indirect_vreg.gather [hbm4b:s5+s3], $0x80, v4, vm0, $0xb8;
	[tilespmem:$0x18C00] =	vst v63  }
0x156: {  	s12 =	simm.s32 $0xFC00  }
0x157: {  	[tilespmem:s12], [sflag:$0x2] =	stream.indirect_vreg.gather [hbm4b:s1+s3], $0x80, v3, vm0, $0xb8;
	[tilespmem:$0x18C00] =	vst v63  }
0x158: {  	_ = 	snop  }
0x159: {  	[tilespmem:s14], [sflag:$0x2] =	stream.indirect_vreg.gather [hbm4b:s5+s3], $0x80, v3, vm0, $0xb8;
	[tilespmem:$0x18C00] =	vst v63  }
0x15a: {  	v3 =	vld [tilespmem:s10+$0xFFFFFFD0];
	_ =	sdelay $0x4  }
0x15b: {  	v60 =	vshll.u32 v3, $0x2  }
0x15c: {  	v3 =	vand.u32 $0x7, v3;
	v4 =	vand.u32 $0xFFFFFFE0, v60  }
0x15d: {  	v3 =	vor.u32 v3, v4  }
0x15e: {  	v4 =	vperm.xlane v3, v0;
	_ =	sdelay $0x1  }
0x15f: {  	v4 =	vadd.s32 v1, v4;
	_ =	sdelay $0x1  }
0x160: {  	v3 =	vperm.xlane v3, v2;
	_ =	sdelay $0x1  }
0x161: {  	v3 =	vadd.s32 v1, v3  }
0x162: {  	[tilespmem:s15], [sflag:$0x2] =	stream.indirect_vreg.gather [hbm4b:s1+s3], $0x80, v4, vm0, $0xb8;
	[tilespmem:$0x18C00] =	vst v63  }
0x163: {  	_ = 	snop  }
0x164: {  	[tilespmem:s16], [sflag:$0x2] =	stream.indirect_vreg.gather [hbm4b:s5+s3], $0x80, v4, vm0, $0xb8;
	[tilespmem:$0x18C00] =	vst v63  }
0x165: {  	_ = 	snop  }
0x166: {  	[tilespmem:s17], [sflag:$0x2] =	stream.indirect_vreg.gather [hbm4b:s1+s3], $0x80, v3, vm0, $0xb8;
	[tilespmem:$0x18C00] =	vst v63  }
0x167: {  	_ = 	snop  }
0x168: {  	[tilespmem:s18], [sflag:$0x2] =	stream.indirect_vreg.gather [hbm4b:s5+s3], $0x80, v3, vm0, $0xb8;
	[tilespmem:$0x18C00] =	vst v63  }
0x169: {  	v3 =	vld [tilespmem:s10+$0xFFFFFFE0];
	_ =	sdelay $0x4  }
0x16a: {  	v61 =	vshll.u32 v3, $0x2  }
0x16b: {  	v3 =	vand.u32 $0x7, v3;
	v4 =	vand.u32 $0xFFFFFFE0, v61  }
0x16c: {  	v3 =	vor.u32 v3, v4  }
0x16d: {  	v4 =	vperm.xlane v3, v0;
	_ =	sdelay $0x1  }
0x16e: {  	v4 =	vadd.s32 v1, v4;
	_ =	sdelay $0x1  }
0x16f: {  	v3 =	vperm.xlane v3, v2;
	_ =	sdelay $0x1  }
0x170: {  	v3 =	vadd.s32 v1, v3  }
0x171: {  	[tilespmem:s19], [sflag:$0x2] =	stream.indirect_vreg.gather [hbm4b:s1+s3], $0x80, v4, vm0, $0xb8;
	[tilespmem:$0x18C00] =	vst v63  }
0x172: {  	_ = 	snop  }
0x173: {  	[tilespmem:s20], [sflag:$0x2] =	stream.indirect_vreg.gather [hbm4b:s5+s3], $0x80, v4, vm0, $0xb8;
	[tilespmem:$0x18C00] =	vst v63  }
0x174: {  	_ = 	snop  }
0x175: {  	[tilespmem:s21], [sflag:$0x2] =	stream.indirect_vreg.gather [hbm4b:s1+s3], $0x80, v3, vm0, $0xb8;
	[tilespmem:$0x18C00] =	vst v63  }
0x176: {  	_ = 	snop  }
0x177: {  	[tilespmem:s22], [sflag:$0x2] =	stream.indirect_vreg.gather [hbm4b:s5+s3], $0x80, v3, vm0, $0xb8;
	[tilespmem:$0x18C00] =	vst v63  }
0x178: {  	v3 =	vld [tilespmem:s10+$0xFFFFFFF0];
	_ =	sdelay $0x4  }
0x179: {  	v62 =	vshll.u32 v3, $0x2  }
0x17a: {  	v3 =	vand.u32 $0x7, v3;
	v4 =	vand.u32 $0xFFFFFFE0, v62  }
0x17b: {  	v3 =	vor.u32 v3, v4  }
0x17c: {  	v4 =	vperm.xlane v3, v0;
	_ =	sdelay $0x1  }
0x17d: {  	v4 =	vadd.s32 v1, v4;
	_ =	sdelay $0x1  }
0x17e: {  	v3 =	vperm.xlane v3, v2;
	_ =	sdelay $0x1  }
0x17f: {  	v3 =	vadd.s32 v1, v3  }
0x180: {  	[tilespmem:s23], [sflag:$0x2] =	stream.indirect_vreg.gather [hbm4b:s1+s3], $0x80, v4, vm0, $0xb8;
	[tilespmem:$0x18C00] =	vst v63  }
0x181: {  	_ = 	snop  }
0x182: {  	[tilespmem:s24], [sflag:$0x2] =	stream.indirect_vreg.gather [hbm4b:s5+s3], $0x80, v4, vm0, $0xb8;
	[tilespmem:$0x18C00] =	vst v63  }
0x183: {  	_ = 	snop  }
0x184: {  	[tilespmem:s25], [sflag:$0x2] =	stream.indirect_vreg.gather [hbm4b:s1+s3], $0x80, v3, vm0, $0xb8;
	[tilespmem:$0x18C00] =	vst v63  }
0x185: {  	_ = 	snop  }
0x186: {  	[tilespmem:s26], [sflag:$0x2] =	stream.indirect_vreg.gather [hbm4b:s5+s3], $0x80, v3, vm0, $0xb8;
	[tilespmem:$0x18C00] =	vst v63  }
0x187: {  	v3 =	vld [tilespmem:s10+$0x0];
	_ =	sdelay $0x4  }
0x188: {  	v63 =	vshll.u32 v3, $0x2  }
0x189: {  	v3 =	vand.u32 $0x7, v3;
	v4 =	vand.u32 $0xFFFFFFE0, v63  }
0x18a: {  	v3 =	vor.u32 v3, v4  }
0x18b: {  	v4 =	vperm.xlane v3, v0;
	_ =	sdelay $0x1  }
0x18c: {  	v4 =	vadd.s32 v1, v4;
	_ =	sdelay $0x2  }
0x18d: {  	v3 =	vperm.xlane v3, v2;
	_ =	sdelay $0x1  }
0x18e: {  	v3 =	vadd.s32 v1, v3;
	[tilespmem:s28], [sflag:$0x2] =	stream.indirect_vreg.gather [hbm4b:s1+s3], $0x80, v4, vm0, $0xb8;
	[tilespmem:$0x18C00] =	vst v63  }
0x18f: {  	_ = 	snop  }
0x190: {  	[tilespmem:s29], [sflag:$0x2] =	stream.indirect_vreg.gather [hbm4b:s5+s3], $0x80, v4, vm0, $0xb8;
	[tilespmem:$0x18C00] =	vst v63  }
.Ltmp4:
0x191: {  	_ = 	snop;
	(pc) =	sbr.rel .LBB2_2-.Ltmp4, $4  }
0x192: {  	_ = 	snop  }
0x193: {  	[tilespmem:s30], [sflag:$0x2] =	stream.indirect_vreg.gather [hbm4b:s1+s3], $0x80, v3, vm0, $0xb8;
	[tilespmem:$0x18C00] =	vst v63  }
0x194: {  	s11 =	sadd.s32 $0x3000, s11;
	s10 =	sadd.s32 $0xC0, s10  }
0x195: {  	[tilespmem:s31], [sflag:$0x2] =	stream.indirect_vreg.gather [hbm4b:s5+s3], $0x80, v3, vm0, $0xb8;
	[tilespmem:$0x18C00] =	vst v63  }
.LBB2_7:
0x196: {  	_ =	sfence.sel $0x180000  }
0x197: {  	[bflag:$0x0] =	sbarrier.arrive $0xFFFF  }
0x198: {  	_ =	strace $0x90000047  }
0x199: {  	s0 =	stileid.u32;
	[bflag:$0x2] =	sbarrier.arrive $0xFFFF  }
0x19a: {  	p0 =	sne.s32 s0, $0x0;
	s0 =	rddreg [dreg:$0x3]  }
0x19b: {  	s0 =	sadd.s32 @!p0 $0x100000, s0  }
0x19c: {  	[sflag:s0] =	ssyncadd.tile.s32 @!p0 $0x1;
	_ =	shalt  }
.Lfunc_end2:
_tile_overlayer_lowered:
.L_overlay_start_2:
0x19d: {  	(tag) =	ssettag $0x2  }
0x19e: {  	s0 =	rddreg [dreg:$0x0];
	s2 =	stileid.u32  }
0x19f: {  	s1 =	rddreg [dreg:$0x1];
	p0 =	sne.s32 s2, $0x0  }
0x1a0: {  	s3 =	rddreg [dreg:$0x2];
	[bflag:$0x3] =	sbarrier.arrive $0xFFFF;
	s2 =	simm.s32 @!p0 $0x1C05  }
0x1a1: {  	[timem:s3], [sflag:s2] =	dma.local @!p0 [hbm:s0], s1  }
0x1a2: {  	s0 =	simm.s32 @!p0 $0x5  }
0x1a3: {  	_ =	swait.ge @!p0 [sflag:s0], s1  }
0x1a4: {  	s1 =	ssub.s32 @!p0 $0x0, s1;
	[sflag:s0] =	ssyncset.done @!p0 $0x0  }
0x1a5: {  	[sflag:s0] =	ssyncadd.s32 @!p0 s1  }
0x1a6: {  	[bflag:$0x3] =	sbarrier.arrive $0xFFFF  }
0x1a7: {  	_ =	shalt  }

</sc_bundles>
